<compile_context>
chip_gen: v7x
topology: tpu7x:2x2x1
jax: 0.10.2.dev20260603
libtpu: 0.0.44.dev20260713+nightly
codegen_flags: <defaults>
</compile_context>

<pallas_src>
import functools

import jax
import jax.numpy as jnp
from jax import lax
from jax.experimental import pallas as pl
from jax.experimental.pallas import tpu as pltpu
from jax.experimental.pallas import tpu_sc as plsc

EPS = 1e-30
LANES = 16
NSPLIT = 2


def _log_vec(v):
    bits = plsc.bitcast(v, jnp.int32)
    e = lax.shift_right_logical(bits, jnp.int32(23)) - jnp.int32(127)
    m = plsc.bitcast(
        lax.bitwise_or(lax.bitwise_and(bits, jnp.int32(0x007FFFFF)), jnp.int32(0x3F800000)),
        jnp.float32,
    )
    ef = e.astype(jnp.float32)
    cond = m > jnp.float32(1.4142135)
    m = jnp.where(cond, m * jnp.float32(0.5), m)
    ef = jnp.where(cond, ef + jnp.float32(1.0), ef)
    s = (m - jnp.float32(1.0)) / (m + jnp.float32(1.0))
    z = s * s
    logm = s * (
        jnp.float32(2.0)
        + z * (jnp.float32(0.6666667) + z * (jnp.float32(0.4) + z * jnp.float32(0.28571429)))
    )
    return ef * jnp.float32(0.69314718) + logm


def kernel(batch_n_nodes, prob, num_nodes):
    del num_nodes
    batch = batch_n_nodes.shape[0]
    nbuckets = prob.shape[0]
    num_cores, num_subcores = 1, 16
    nw = num_cores * num_subcores
    assert batch % (8 * nw) == 0
    chunk = batch // nw
    mesh = plsc.VectorSubcoreMesh(
        core_axis_name="c", subcore_axis_name="s", num_cores=num_cores, num_subcores=num_subcores
    )

    @functools.partial(
        pl.kernel,
        mesh=mesh,
        out_type=jax.ShapeDtypeStruct((batch,), jnp.float32),
        compiler_params=pltpu.CompilerParams(
            needs_layout_passes=False,
            skip_device_barrier=True,
            disable_bounds_checks=True,
            disable_semaphore_checks=True,
        ),
        scratch_types=[
            pltpu.VMEM((nbuckets,), jnp.float32),
            pltpu.VMEM((chunk,), jnp.int32),
            pltpu.VMEM((chunk,), jnp.float32),
            pltpu.SemaphoreType.DMA,
            [pltpu.SemaphoreType.DMA] * NSPLIT,
        ],
    )
    def run(idx_hbm, prob_hbm, out_hbm, table_v, idx_v, out_v, sem_p, sems_i):
        sem_o = sem_p
        wid = lax.axis_index("s") * num_cores + lax.axis_index("c")
        base = wid * chunk
        piece = chunk // NSPLIT
        cp_p = pltpu.async_copy(prob_hbm, table_v, sem_p)
        cps = [
            pltpu.async_copy(
                idx_hbm.at[pl.ds(base + q * piece, piece)],
                idx_v.at[pl.ds(q * piece, piece)],
                sems_i[q],
            )
            for q in range(NSPLIT)
        ]
        cp_p.wait()
        for i in range(nbuckets // LANES):
            sl = pl.ds(i * LANES, LANES)
            table_v[sl] = _log_vec(table_v[sl] + jnp.float32(EPS))

        def gather_range(lo, hi):
            @plsc.parallel_loop(lo, hi, step=LANES, unroll=8)
            def _(j):
                sl = pl.ds(j, LANES)
                out_v[sl] = plsc.load_gather(table_v, [idx_v[sl]])

        sts = []
        for q in range(NSPLIT):
            cps[q].wait()
            gather_range(q * piece, (q + 1) * piece)
            sts.append(
                pltpu.async_copy(
                    out_v.at[pl.ds(q * piece, piece)],
                    out_hbm.at[pl.ds(base + q * piece, piece)],
                    sem_o,
                )
            )
        for st in sts:
            st.wait()

    return run(batch_n_nodes, prob)

# --- scband reference (transcript-rebuilt; emitter-appended) ---
"""Pipeline reference for scband-num-nodes-distribution-7017976562117 (READ-ONLY COPY).

The authoritative reference and input builder live on the scoring server;
editing this copy changes nothing except your own understanding.
"""

import jax, jax.numpy as jnp
import numpy as np

EPS = 1e-30
NUM_BUCKETS = 64
BATCH = 16384


def _build_histogram_counts():
    # Matches init_kwargs histogram: key n in [0, 64), count = 1000 - 15*|n-32|
    n = np.arange(NUM_BUCKETS)
    counts = (1000 - 15 * np.abs(n - 32)).astype(np.float32)
    return counts


def setup_inputs(seed: int = 0) -> dict:
    key = jax.random.key(seed)
    counts = _build_histogram_counts()
    # __init__: prob buffer normalized to sum to 1
    prob = jnp.asarray(counts / counts.sum(), dtype=jnp.float32)
    # num_nodes buffer (identity mapping here since keys are 0..63 in order)
    num_nodes = jnp.arange(NUM_BUCKETS, dtype=jnp.int32)
    batch_n_nodes = jax.random.randint(jax.random.fold_in(key, 1), (BATCH,), 0, NUM_BUCKETS)
    return {"batch_n_nodes": batch_n_nodes, "prob": prob, "num_nodes": num_nodes}


def reference(batch_n_nodes, prob, num_nodes):
    # log_prob(batch_n_nodes):
    #   idcs = [keys[i] for i in batch_n_nodes]  -> identity since keys[n] = n
    #   log_p = log(prob + eps); return log_p[idcs]
    idcs = batch_n_nodes
    log_p = jnp.log(prob + EPS)
    log_probs = jnp.take(log_p, idcs, axis=0)
    return log_probs


if False:  # reference __main__ guard neutralized (emitter)
    out = reference(**setup_inputs())
    print(out.shape, out.dtype)

if __name__ == "__main__":
    import jax
    _d = setup_inputs()
    print(jax.jit(kernel)(*tuple(_d.values())))

</pallas_src>

<mosaic_0001>
#map = affine_map<(d0, d1) -> (0)>
module attributes {stable_mosaic.version = 14 : i64} {
  func.func @run(%arg0: i32, %arg1: i32, %arg2: memref<16384xi32, #tpu.memory_space<hbm>>, %arg3: memref<64xf32, #tpu.memory_space<hbm>>, %arg4: memref<16384xf32, #tpu.memory_space<hbm>>, %arg5: memref<64xf32, #tpu.memory_space<vmem>>, %arg6: memref<1024xi32, #tpu.memory_space<vmem>>, %arg7: memref<1024xf32, #tpu.memory_space<vmem>>, %arg8: memref<!tpu.dma_semaphore, #tpu.memory_space<semaphore_mem>>, %arg9: memref<!tpu.dma_semaphore, #tpu.memory_space<semaphore_mem>>, %arg10: memref<!tpu.dma_semaphore, #tpu.memory_space<semaphore_mem>>) attributes {dimension_semantics = [#tpu.dimension_semantics<core_parallel>, #tpu.dimension_semantics<subcore_parallel>], iteration_bounds = array<i64: 1, 16>, scalar_prefetch = 0 : i64, scratch_operands = 6 : i64, tpu.core_type = #tpu.core_type<sc_vector_subcore>, window_params = [{transform_indices = #map}, {transform_indices = #map}, {transform_indices = #map}]} {
    %mul3A = arith.constant 1 : i32
    %mul3A_0 = arith.muli %arg1, %mul3A : i32
    %add3A = arith.addi %mul3A_0, %arg0 : i32
    %mul3A_1 = arith.constant 1024 : i32
    %mul3A_2 = arith.muli %add3A, %mul3A_1 : i32
    tpu.enqueue_dma source(%arg3 : memref<64xf32, #tpu.memory_space<hbm>>) target(%arg5 : memref<64xf32, #tpu.memory_space<vmem>>) target_semaphore(%arg8 : memref<!tpu.dma_semaphore, #tpu.memory_space<semaphore_mem>>)
    %add3A_3 = arith.constant 0 : i32
    %add3A_4 = arith.addi %mul3A_2, %add3A_3 : i32
    %dma_start3A = arith.constant 0 : i32
    %dma_start3A_5 = tpu.memref_slice %arg6[%dma_start3A] : memref<1024xi32, #tpu.memory_space<vmem>> -> memref<512xi32, #tpu.memory_space<vmem>>
    %dma_start3A_6 = tpu.memref_slice %arg2[%add3A_4] : memref<16384xi32, #tpu.memory_space<hbm>> -> memref<512xi32, #tpu.memory_space<hbm>>
    %dma_start3A_7 = arith.constant 0 : i32
    %dma_start3A_8 = tpu.memref_slice %arg6[%dma_start3A_7] : memref<1024xi32, #tpu.memory_space<vmem>> -> memref<512xi32, #tpu.memory_space<vmem>>
    %dma_start3A_9 = tpu.memref_slice %arg2[%add3A_4] : memref<16384xi32, #tpu.memory_space<hbm>> -> memref<512xi32, #tpu.memory_space<hbm>>
    tpu.enqueue_dma source(%dma_start3A_9 : memref<512xi32, #tpu.memory_space<hbm>>) target(%dma_start3A_8 : memref<512xi32, #tpu.memory_space<vmem>>) target_semaphore(%arg9 : memref<!tpu.dma_semaphore, #tpu.memory_space<semaphore_mem>>)
    %add3A_10 = arith.constant 512 : i32
    %add3A_11 = arith.addi %mul3A_2, %add3A_10 : i32
    %dma_start3A_12 = arith.constant 512 : i32
    %dma_start3A_13 = tpu.memref_slice %arg6[%dma_start3A_12] : memref<1024xi32, #tpu.memory_space<vmem>> -> memref<512xi32, #tpu.memory_space<vmem>>
    %dma_start3A_14 = tpu.memref_slice %arg2[%add3A_11] : memref<16384xi32, #tpu.memory_space<hbm>> -> memref<512xi32, #tpu.memory_space<hbm>>
    %dma_start3A_15 = arith.constant 512 : i32
    %dma_start3A_16 = tpu.memref_slice %arg6[%dma_start3A_15] : memref<1024xi32, #tpu.memory_space<vmem>> -> memref<512xi32, #tpu.memory_space<vmem>>
    %dma_start3A_17 = tpu.memref_slice %arg2[%add3A_11] : memref<16384xi32, #tpu.memory_space<hbm>> -> memref<512xi32, #tpu.memory_space<hbm>>
    tpu.enqueue_dma source(%dma_start3A_17 : memref<512xi32, #tpu.memory_space<hbm>>) target(%dma_start3A_16 : memref<512xi32, #tpu.memory_space<vmem>>) target_semaphore(%arg10 : memref<!tpu.dma_semaphore, #tpu.memory_space<semaphore_mem>>)
    tpu.wait_dma2 semaphore(%arg8 : memref<!tpu.dma_semaphore, #tpu.memory_space<semaphore_mem>>) src(%arg3 : memref<64xf32, #tpu.memory_space<hbm>>) dst(%arg5 : memref<64xf32, #tpu.memory_space<vmem>>)
    %get3A = arith.constant 0 : index
    %get3A_18 = tpu.vector_load %arg5[%get3A] {strides = array<i32>} : memref<64xf32, #tpu.memory_space<vmem>>, vector<16xf32>,
    %add3A_19 = arith.constant 1.000000e-30 : f32
    %add3A_20 = vector.broadcast %add3A_19 : f32 to vector<16xf32>
    %add3A_21 = arith.addf %get3A_18, %add3A_20 : vector<16xf32>
    %bitcast3A = vector.bitcast %add3A_21 : vector<16xf32> to vector<16xi32>
    %shift_right_logical3A = arith.constant 23 : i32
    %shift_right_logical3A_22 = vector.broadcast %shift_right_logical3A : i32 to vector<16xi32>
    %shift_right_logical3A_23 = arith.shrui %bitcast3A, %shift_right_logical3A_22 : vector<16xi32>
    %sub3A = arith.constant 127 : i32
    %sub3A_24 = vector.broadcast %sub3A : i32 to vector<16xi32>
    %sub3A_25 = arith.subi %shift_right_logical3A_23, %sub3A_24 : vector<16xi32>
    %and3A = arith.constant 8388607 : i32
    %and3A_26 = vector.broadcast %and3A : i32 to vector<16xi32>
    %and3A_27 = arith.andi %bitcast3A, %and3A_26 : vector<16xi32>
    %or3A = arith.constant 1065353216 : i32
    %or3A_28 = vector.broadcast %or3A : i32 to vector<16xi32>
    %or3A_29 = arith.ori %and3A_27, %or3A_28 : vector<16xi32>
    %bitcast3A_30 = vector.bitcast %or3A_29 : vector<16xi32> to vector<16xf32>
    %convert_element_type3A = arith.sitofp %sub3A_25 : vector<16xi32> to vector<16xf32>
    %gt3A = arith.constant 1.41421354 : f32
    %gt3A_31 = vector.broadcast %gt3A : f32 to vector<16xf32>
    %gt3A_32 = arith.cmpf ogt, %bitcast3A_30, %gt3A_31 : vector<16xf32>
    %mul3A_33 = arith.constant 5.000000e-01 : f32
    %mul3A_34 = vector.broadcast %mul3A_33 : f32 to vector<16xf32>
    %mul3A_35 = arith.mulf %bitcast3A_30, %mul3A_34 : vector<16xf32>
    %select_n3A = arith.select %gt3A_32, %mul3A_35, %bitcast3A_30 : vector<16xi1>, vector<16xf32>
    %add3A_36 = arith.constant 1.000000e+00 : f32
    %add3A_37 = vector.broadcast %add3A_36 : f32 to vector<16xf32>
    %add3A_38 = arith.addf %convert_element_type3A, %add3A_37 : vector<16xf32>
    %select_n3A_39 = arith.select %gt3A_32, %add3A_38, %convert_element_type3A : vector<16xi1>, vector<16xf32>
    %sub3A_40 = arith.constant 1.000000e+00 : f32
    %sub3A_41 = vector.broadcast %sub3A_40 : f32 to vector<16xf32>
    %sub3A_42 = arith.subf %select_n3A, %sub3A_41 : vector<16xf32>
    %add3A_43 = arith.constant 1.000000e+00 : f32
    %add3A_44 = vector.broadcast %add3A_43 : f32 to vector<16xf32>
    %add3A_45 = arith.addf %select_n3A, %add3A_44 : vector<16xf32>
    %div3A = arith.divf %sub3A_42, %add3A_45 : vector<16xf32>
    %mul3A_46 = arith.mulf %div3A, %div3A : vector<16xf32>
    %mul3A_47 = arith.constant 0.285714298 : f32
    %mul3A_48 = vector.broadcast %mul3A_47 : f32 to vector<16xf32>
    %mul3A_49 = arith.mulf %mul3A_46, %mul3A_48 : vector<16xf32>
    %add3A_50 = arith.constant 4.000000e-01 : f32
    %add3A_51 = vector.broadcast %add3A_50 : f32 to vector<16xf32>
    %add3A_52 = arith.addf %add3A_51, %mul3A_49 : vector<16xf32>
    %mul3A_53 = arith.mulf %mul3A_46, %add3A_52 : vector<16xf32>
    %add3A_54 = arith.constant 0.666666686 : f32
    %add3A_55 = vector.broadcast %add3A_54 : f32 to vector<16xf32>
    %add3A_56 = arith.addf %add3A_55, %mul3A_53 : vector<16xf32>
    %mul3A_57 = arith.mulf %mul3A_46, %add3A_56 : vector<16xf32>
    %add3A_58 = arith.constant 2.000000e+00 : f32
    %add3A_59 = vector.broadcast %add3A_58 : f32 to vector<16xf32>
    %add3A_60 = arith.addf %add3A_59, %mul3A_57 : vector<16xf32>
    %mul3A_61 = arith.mulf %div3A, %add3A_60 : vector<16xf32>
    %mul3A_62 = arith.constant 0.693147182 : f32
    %mul3A_63 = vector.broadcast %mul3A_62 : f32 to vector<16xf32>
    %mul3A_64 = arith.mulf %select_n3A_39, %mul3A_63 : vector<16xf32>
    %add3A_65 = arith.addf %mul3A_64, %mul3A_61 : vector<16xf32>
    %swap3A = arith.constant 0 : index
    %swap3A_66 = tpu.vector_load %arg5[%swap3A] {strides = array<i32>} : memref<64xf32, #tpu.memory_space<vmem>>, vector<16xf32>,
    tpu.vector_store %arg5[%swap3A], %add3A_65 {strides = array<i32>} : memref<64xf32, #tpu.memory_space<vmem>>, vector<16xf32>,
    %get3A_67 = arith.constant 16 : index
    %get3A_68 = tpu.vector_load %arg5[%get3A_67] {strides = array<i32>} : memref<64xf32, #tpu.memory_space<vmem>>, vector<16xf32>,
    %add3A_69 = arith.constant 1.000000e-30 : f32
    %add3A_70 = vector.broadcast %add3A_69 : f32 to vector<16xf32>
    %add3A_71 = arith.addf %get3A_68, %add3A_70 : vector<16xf32>
    %bitcast3A_72 = vector.bitcast %add3A_71 : vector<16xf32> to vector<16xi32>
    %shift_right_logical3A_73 = arith.constant 23 : i32
    %shift_right_logical3A_74 = vector.broadcast %shift_right_logical3A_73 : i32 to vector<16xi32>
    %shift_right_logical3A_75 = arith.shrui %bitcast3A_72, %shift_right_logical3A_74 : vector<16xi32>
    %sub3A_76 = arith.constant 127 : i32
    %sub3A_77 = vector.broadcast %sub3A_76 : i32 to vector<16xi32>
    %sub3A_78 = arith.subi %shift_right_logical3A_75, %sub3A_77 : vector<16xi32>
    %and3A_79 = arith.constant 8388607 : i32
    %and3A_80 = vector.broadcast %and3A_79 : i32 to vector<16xi32>
    %and3A_81 = arith.andi %bitcast3A_72, %and3A_80 : vector<16xi32>
    %or3A_82 = arith.constant 1065353216 : i32
    %or3A_83 = vector.broadcast %or3A_82 : i32 to vector<16xi32>
    %or3A_84 = arith.ori %and3A_81, %or3A_83 : vector<16xi32>
    %bitcast3A_85 = vector.bitcast %or3A_84 : vector<16xi32> to vector<16xf32>
    %convert_element_type3A_86 = arith.sitofp %sub3A_78 : vector<16xi32> to vector<16xf32>
    %gt3A_87 = arith.constant 1.41421354 : f32
    %gt3A_88 = vector.broadcast %gt3A_87 : f32 to vector<16xf32>
    %gt3A_89 = arith.cmpf ogt, %bitcast3A_85, %gt3A_88 : vector<16xf32>
    %mul3A_90 = arith.constant 5.000000e-01 : f32
    %mul3A_91 = vector.broadcast %mul3A_90 : f32 to vector<16xf32>
    %mul3A_92 = arith.mulf %bitcast3A_85, %mul3A_91 : vector<16xf32>
    %select_n3A_93 = arith.select %gt3A_89, %mul3A_92, %bitcast3A_85 : vector<16xi1>, vector<16xf32>
    %add3A_94 = arith.constant 1.000000e+00 : f32
    %add3A_95 = vector.broadcast %add3A_94 : f32 to vector<16xf32>
    %add3A_96 = arith.addf %convert_element_type3A_86, %add3A_95 : vector<16xf32>
    %select_n3A_97 = arith.select %gt3A_89, %add3A_96, %convert_element_type3A_86 : vector<16xi1>, vector<16xf32>
    %sub3A_98 = arith.constant 1.000000e+00 : f32
    %sub3A_99 = vector.broadcast %sub3A_98 : f32 to vector<16xf32>
    %sub3A_100 = arith.subf %select_n3A_93, %sub3A_99 : vector<16xf32>
    %add3A_101 = arith.constant 1.000000e+00 : f32
    %add3A_102 = vector.broadcast %add3A_101 : f32 to vector<16xf32>
    %add3A_103 = arith.addf %select_n3A_93, %add3A_102 : vector<16xf32>
    %div3A_104 = arith.divf %sub3A_100, %add3A_103 : vector<16xf32>
    %mul3A_105 = arith.mulf %div3A_104, %div3A_104 : vector<16xf32>
    %mul3A_106 = arith.constant 0.285714298 : f32
    %mul3A_107 = vector.broadcast %mul3A_106 : f32 to vector<16xf32>
    %mul3A_108 = arith.mulf %mul3A_105, %mul3A_107 : vector<16xf32>
    %add3A_109 = arith.constant 4.000000e-01 : f32
    %add3A_110 = vector.broadcast %add3A_109 : f32 to vector<16xf32>
    %add3A_111 = arith.addf %add3A_110, %mul3A_108 : vector<16xf32>
    %mul3A_112 = arith.mulf %mul3A_105, %add3A_111 : vector<16xf32>
    %add3A_113 = arith.constant 0.666666686 : f32
    %add3A_114 = vector.broadcast %add3A_113 : f32 to vector<16xf32>
    %add3A_115 = arith.addf %add3A_114, %mul3A_112 : vector<16xf32>
    %mul3A_116 = arith.mulf %mul3A_105, %add3A_115 : vector<16xf32>
    %add3A_117 = arith.constant 2.000000e+00 : f32
    %add3A_118 = vector.broadcast %add3A_117 : f32 to vector<16xf32>
    %add3A_119 = arith.addf %add3A_118, %mul3A_116 : vector<16xf32>
    %mul3A_120 = arith.mulf %div3A_104, %add3A_119 : vector<16xf32>
    %mul3A_121 = arith.constant 0.693147182 : f32
    %mul3A_122 = vector.broadcast %mul3A_121 : f32 to vector<16xf32>
    %mul3A_123 = arith.mulf %select_n3A_97, %mul3A_122 : vector<16xf32>
    %add3A_124 = arith.addf %mul3A_123, %mul3A_120 : vector<16xf32>
    %swap3A_125 = arith.constant 16 : index
    %swap3A_126 = tpu.vector_load %arg5[%swap3A_125] {strides = array<i32>} : memref<64xf32, #tpu.memory_space<vmem>>, vector<16xf32>,
    tpu.vector_store %arg5[%swap3A_125], %add3A_124 {strides = array<i32>} : memref<64xf32, #tpu.memory_space<vmem>>, vector<16xf32>,
    %get3A_127 = arith.constant 32 : index
    %get3A_128 = tpu.vector_load %arg5[%get3A_127] {strides = array<i32>} : memref<64xf32, #tpu.memory_space<vmem>>, vector<16xf32>,
    %add3A_129 = arith.constant 1.000000e-30 : f32
    %add3A_130 = vector.broadcast %add3A_129 : f32 to vector<16xf32>
    %add3A_131 = arith.addf %get3A_128, %add3A_130 : vector<16xf32>
    %bitcast3A_132 = vector.bitcast %add3A_131 : vector<16xf32> to vector<16xi32>
    %shift_right_logical3A_133 = arith.constant 23 : i32
    %shift_right_logical3A_134 = vector.broadcast %shift_right_logical3A_133 : i32 to vector<16xi32>
    %shift_right_logical3A_135 = arith.shrui %bitcast3A_132, %shift_right_logical3A_134 : vector<16xi32>
    %sub3A_136 = arith.constant 127 : i32
    %sub3A_137 = vector.broadcast %sub3A_136 : i32 to vector<16xi32>
    %sub3A_138 = arith.subi %shift_right_logical3A_135, %sub3A_137 : vector<16xi32>
    %and3A_139 = arith.constant 8388607 : i32
    %and3A_140 = vector.broadcast %and3A_139 : i32 to vector<16xi32>
    %and3A_141 = arith.andi %bitcast3A_132, %and3A_140 : vector<16xi32>
    %or3A_142 = arith.constant 1065353216 : i32
    %or3A_143 = vector.broadcast %or3A_142 : i32 to vector<16xi32>
    %or3A_144 = arith.ori %and3A_141, %or3A_143 : vector<16xi32>
    %bitcast3A_145 = vector.bitcast %or3A_144 : vector<16xi32> to vector<16xf32>
    %convert_element_type3A_146 = arith.sitofp %sub3A_138 : vector<16xi32> to vector<16xf32>
    %gt3A_147 = arith.constant 1.41421354 : f32
    %gt3A_148 = vector.broadcast %gt3A_147 : f32 to vector<16xf32>
    %gt3A_149 = arith.cmpf ogt, %bitcast3A_145, %gt3A_148 : vector<16xf32>
    %mul3A_150 = arith.constant 5.000000e-01 : f32
    %mul3A_151 = vector.broadcast %mul3A_150 : f32 to vector<16xf32>
    %mul3A_152 = arith.mulf %bitcast3A_145, %mul3A_151 : vector<16xf32>
    %select_n3A_153 = arith.select %gt3A_149, %mul3A_152, %bitcast3A_145 : vector<16xi1>, vector<16xf32>
    %add3A_154 = arith.constant 1.000000e+00 : f32
    %add3A_155 = vector.broadcast %add3A_154 : f32 to vector<16xf32>
    %add3A_156 = arith.addf %convert_element_type3A_146, %add3A_155 : vector<16xf32>
    %select_n3A_157 = arith.select %gt3A_149, %add3A_156, %convert_element_type3A_146 : vector<16xi1>, vector<16xf32>
    %sub3A_158 = arith.constant 1.000000e+00 : f32
    %sub3A_159 = vector.broadcast %sub3A_158 : f32 to vector<16xf32>
    %sub3A_160 = arith.subf %select_n3A_153, %sub3A_159 : vector<16xf32>
    %add3A_161 = arith.constant 1.000000e+00 : f32
    %add3A_162 = vector.broadcast %add3A_161 : f32 to vector<16xf32>
    %add3A_163 = arith.addf %select_n3A_153, %add3A_162 : vector<16xf32>
    %div3A_164 = arith.divf %sub3A_160, %add3A_163 : vector<16xf32>
    %mul3A_165 = arith.mulf %div3A_164, %div3A_164 : vector<16xf32>
    %mul3A_166 = arith.constant 0.285714298 : f32
    %mul3A_167 = vector.broadcast %mul3A_166 : f32 to vector<16xf32>
    %mul3A_168 = arith.mulf %mul3A_165, %mul3A_167 : vector<16xf32>
    %add3A_169 = arith.constant 4.000000e-01 : f32
    %add3A_170 = vector.broadcast %add3A_169 : f32 to vector<16xf32>
    %add3A_171 = arith.addf %add3A_170, %mul3A_168 : vector<16xf32>
    %mul3A_172 = arith.mulf %mul3A_165, %add3A_171 : vector<16xf32>
    %add3A_173 = arith.constant 0.666666686 : f32
    %add3A_174 = vector.broadcast %add3A_173 : f32 to vector<16xf32>
    %add3A_175 = arith.addf %add3A_174, %mul3A_172 : vector<16xf32>
    %mul3A_176 = arith.mulf %mul3A_165, %add3A_175 : vector<16xf32>
    %add3A_177 = arith.constant 2.000000e+00 : f32
    %add3A_178 = vector.broadcast %add3A_177 : f32 to vector<16xf32>
    %add3A_179 = arith.addf %add3A_178, %mul3A_176 : vector<16xf32>
    %mul3A_180 = arith.mulf %div3A_164, %add3A_179 : vector<16xf32>
    %mul3A_181 = arith.constant 0.693147182 : f32
    %mul3A_182 = vector.broadcast %mul3A_181 : f32 to vector<16xf32>
    %mul3A_183 = arith.mulf %select_n3A_157, %mul3A_182 : vector<16xf32>
    %add3A_184 = arith.addf %mul3A_183, %mul3A_180 : vector<16xf32>
    %swap3A_185 = arith.constant 32 : index
    %swap3A_186 = tpu.vector_load %arg5[%swap3A_185] {strides = array<i32>} : memref<64xf32, #tpu.memory_space<vmem>>, vector<16xf32>,
    tpu.vector_store %arg5[%swap3A_185], %add3A_184 {strides = array<i32>} : memref<64xf32, #tpu.memory_space<vmem>>, vector<16xf32>,
    %get3A_187 = arith.constant 48 : index
    %get3A_188 = tpu.vector_load %arg5[%get3A_187] {strides = array<i32>} : memref<64xf32, #tpu.memory_space<vmem>>, vector<16xf32>,
    %add3A_189 = arith.constant 1.000000e-30 : f32
    %add3A_190 = vector.broadcast %add3A_189 : f32 to vector<16xf32>
    %add3A_191 = arith.addf %get3A_188, %add3A_190 : vector<16xf32>
    %bitcast3A_192 = vector.bitcast %add3A_191 : vector<16xf32> to vector<16xi32>
    %shift_right_logical3A_193 = arith.constant 23 : i32
    %shift_right_logical3A_194 = vector.broadcast %shift_right_logical3A_193 : i32 to vector<16xi32>
    %shift_right_logical3A_195 = arith.shrui %bitcast3A_192, %shift_right_logical3A_194 : vector<16xi32>
    %sub3A_196 = arith.constant 127 : i32
    %sub3A_197 = vector.broadcast %sub3A_196 : i32 to vector<16xi32>
    %sub3A_198 = arith.subi %shift_right_logical3A_195, %sub3A_197 : vector<16xi32>
    %and3A_199 = arith.constant 8388607 : i32
    %and3A_200 = vector.broadcast %and3A_199 : i32 to vector<16xi32>
    %and3A_201 = arith.andi %bitcast3A_192, %and3A_200 : vector<16xi32>
    %or3A_202 = arith.constant 1065353216 : i32
    %or3A_203 = vector.broadcast %or3A_202 : i32 to vector<16xi32>
    %or3A_204 = arith.ori %and3A_201, %or3A_203 : vector<16xi32>
    %bitcast3A_205 = vector.bitcast %or3A_204 : vector<16xi32> to vector<16xf32>
    %convert_element_type3A_206 = arith.sitofp %sub3A_198 : vector<16xi32> to vector<16xf32>
    %gt3A_207 = arith.constant 1.41421354 : f32
    %gt3A_208 = vector.broadcast %gt3A_207 : f32 to vector<16xf32>
    %gt3A_209 = arith.cmpf ogt, %bitcast3A_205, %gt3A_208 : vector<16xf32>
    %mul3A_210 = arith.constant 5.000000e-01 : f32
    %mul3A_211 = vector.broadcast %mul3A_210 : f32 to vector<16xf32>
    %mul3A_212 = arith.mulf %bitcast3A_205, %mul3A_211 : vector<16xf32>
    %select_n3A_213 = arith.select %gt3A_209, %mul3A_212, %bitcast3A_205 : vector<16xi1>, vector<16xf32>
    %add3A_214 = arith.constant 1.000000e+00 : f32
    %add3A_215 = vector.broadcast %add3A_214 : f32 to vector<16xf32>
    %add3A_216 = arith.addf %convert_element_type3A_206, %add3A_215 : vector<16xf32>
    %select_n3A_217 = arith.select %gt3A_209, %add3A_216, %convert_element_type3A_206 : vector<16xi1>, vector<16xf32>
    %sub3A_218 = arith.constant 1.000000e+00 : f32
    %sub3A_219 = vector.broadcast %sub3A_218 : f32 to vector<16xf32>
    %sub3A_220 = arith.subf %select_n3A_213, %sub3A_219 : vector<16xf32>
    %add3A_221 = arith.constant 1.000000e+00 : f32
    %add3A_222 = vector.broadcast %add3A_221 : f32 to vector<16xf32>
    %add3A_223 = arith.addf %select_n3A_213, %add3A_222 : vector<16xf32>
    %div3A_224 = arith.divf %sub3A_220, %add3A_223 : vector<16xf32>
    %mul3A_225 = arith.mulf %div3A_224, %div3A_224 : vector<16xf32>
    %mul3A_226 = arith.constant 0.285714298 : f32
    %mul3A_227 = vector.broadcast %mul3A_226 : f32 to vector<16xf32>
    %mul3A_228 = arith.mulf %mul3A_225, %mul3A_227 : vector<16xf32>
    %add3A_229 = arith.constant 4.000000e-01 : f32
    %add3A_230 = vector.broadcast %add3A_229 : f32 to vector<16xf32>
    %add3A_231 = arith.addf %add3A_230, %mul3A_228 : vector<16xf32>
    %mul3A_232 = arith.mulf %mul3A_225, %add3A_231 : vector<16xf32>
    %add3A_233 = arith.constant 0.666666686 : f32
    %add3A_234 = vector.broadcast %add3A_233 : f32 to vector<16xf32>
    %add3A_235 = arith.addf %add3A_234, %mul3A_232 : vector<16xf32>
    %mul3A_236 = arith.mulf %mul3A_225, %add3A_235 : vector<16xf32>
    %add3A_237 = arith.constant 2.000000e+00 : f32
    %add3A_238 = vector.broadcast %add3A_237 : f32 to vector<16xf32>
    %add3A_239 = arith.addf %add3A_238, %mul3A_236 : vector<16xf32>
    %mul3A_240 = arith.mulf %div3A_224, %add3A_239 : vector<16xf32>
    %mul3A_241 = arith.constant 0.693147182 : f32
    %mul3A_242 = vector.broadcast %mul3A_241 : f32 to vector<16xf32>
    %mul3A_243 = arith.mulf %select_n3A_217, %mul3A_242 : vector<16xf32>
    %add3A_244 = arith.addf %mul3A_243, %mul3A_240 : vector<16xf32>
    %swap3A_245 = arith.constant 48 : index
    %swap3A_246 = tpu.vector_load %arg5[%swap3A_245] {strides = array<i32>} : memref<64xf32, #tpu.memory_space<vmem>>, vector<16xf32>,
    tpu.vector_store %arg5[%swap3A_245], %add3A_244 {strides = array<i32>} : memref<64xf32, #tpu.memory_space<vmem>>, vector<16xf32>,
    %dma_wait3A = arith.constant 0 : i32
    %dma_wait3A_247 = tpu.memref_slice %arg6[%dma_wait3A] : memref<1024xi32, #tpu.memory_space<vmem>> -> memref<512xi32, #tpu.memory_space<vmem>>
    %dma_wait3A_248 = tpu.memref_slice %arg2[%add3A_4] : memref<16384xi32, #tpu.memory_space<hbm>> -> memref<512xi32, #tpu.memory_space<hbm>>
    %dma_wait3A_249 = arith.constant 0 : i32
    %dma_wait3A_250 = tpu.memref_slice %arg6[%dma_wait3A_249] : memref<1024xi32, #tpu.memory_space<vmem>> -> memref<512xi32, #tpu.memory_space<vmem>>
    %dma_wait3A_251 = tpu.memref_slice %arg2[%add3A_4] : memref<16384xi32, #tpu.memory_space<hbm>> -> memref<512xi32, #tpu.memory_space<hbm>>
    tpu.wait_dma2 semaphore(%arg9 : memref<!tpu.dma_semaphore, #tpu.memory_space<semaphore_mem>>) src(%dma_wait3A_251 : memref<512xi32, #tpu.memory_space<hbm>>) dst(%dma_wait3A_250 : memref<512xi32, #tpu.memory_space<vmem>>)
    %parallel_loop3A = arith.constant 0 : i32
    %parallel_loop3A_252 = arith.constant 512 : i32
    %parallel_loop3A_253 = arith.constant 16 : i32
    scf.for %parallel_loop3A_291 = %parallel_loop3A to %parallel_loop3A_252 step %parallel_loop3A_253  : i32 {
      %parallel_loop3A_292 = arith.index_cast %parallel_loop3A_291 : i32 to index
      %parallel_loop3A_293 = tpu.vector_load %arg6[%parallel_loop3A_292] {strides = array<i32>} : memref<1024xi32, #tpu.memory_space<vmem>>, vector<16xi32>,
      %parallel_loop3A_294 = tpu.vector_load_idx %arg5[%parallel_loop3A_293] : memref<64xf32, #tpu.memory_space<vmem>>[vector<16xi32>], vector<16xf32>,
      %parallel_loop3A_295 = arith.index_cast %parallel_loop3A_291 : i32 to index
      %parallel_loop3A_296 = tpu.vector_load %arg7[%parallel_loop3A_295] {strides = array<i32>} : memref<1024xf32, #tpu.memory_space<vmem>>, vector<16xf32>,
      tpu.vector_store %arg7[%parallel_loop3A_295], %parallel_loop3A_294 {strides = array<i32>} : memref<1024xf32, #tpu.memory_space<vmem>>, vector<16xf32>,
    } {sc.loop_unroll_factor = 8 : i64, sc.parallel_access}
    %add3A_254 = arith.constant 0 : i32
    %add3A_255 = arith.addi %mul3A_2, %add3A_254 : i32
    %dma_start3A_256 = arith.constant 0 : i32
    %dma_start3A_257 = tpu.memref_slice %arg7[%dma_start3A_256] : memref<1024xf32, #tpu.memory_space<vmem>> -> memref<512xf32, #tpu.memory_space<vmem>>
    %dma_start3A_258 = tpu.memref_slice %arg4[%add3A_255] : memref<16384xf32, #tpu.memory_space<hbm>> -> memref<512xf32, #tpu.memory_space<hbm>>
    %dma_start3A_259 = tpu.memref_slice %arg4[%add3A_255] : memref<16384xf32, #tpu.memory_space<hbm>> -> memref<512xf32, #tpu.memory_space<hbm>>
    %dma_start3A_260 = arith.constant 0 : i32
    %dma_start3A_261 = tpu.memref_slice %arg7[%dma_start3A_260] : memref<1024xf32, #tpu.memory_space<vmem>> -> memref<512xf32, #tpu.memory_space<vmem>>
    tpu.enqueue_dma source(%dma_start3A_261 : memref<512xf32, #tpu.memory_space<vmem>>) target(%dma_start3A_259 : memref<512xf32, #tpu.memory_space<hbm>>) target_semaphore(%arg8 : memref<!tpu.dma_semaphore, #tpu.memory_space<semaphore_mem>>)
    %dma_wait3A_262 = arith.constant 512 : i32
    %dma_wait3A_263 = tpu.memref_slice %arg6[%dma_wait3A_262] : memref<1024xi32, #tpu.memory_space<vmem>> -> memref<512xi32, #tpu.memory_space<vmem>>
    %dma_wait3A_264 = tpu.memref_slice %arg2[%add3A_11] : memref<16384xi32, #tpu.memory_space<hbm>> -> memref<512xi32, #tpu.memory_space<hbm>>
    %dma_wait3A_265 = arith.constant 512 : i32
    %dma_wait3A_266 = tpu.memref_slice %arg6[%dma_wait3A_265] : memref<1024xi32, #tpu.memory_space<vmem>> -> memref<512xi32, #tpu.memory_space<vmem>>
    %dma_wait3A_267 = tpu.memref_slice %arg2[%add3A_11] : memref<16384xi32, #tpu.memory_space<hbm>> -> memref<512xi32, #tpu.memory_space<hbm>>
    tpu.wait_dma2 semaphore(%arg10 : memref<!tpu.dma_semaphore, #tpu.memory_space<semaphore_mem>>) src(%dma_wait3A_267 : memref<512xi32, #tpu.memory_space<hbm>>) dst(%dma_wait3A_266 : memref<512xi32, #tpu.memory_space<vmem>>)
    %parallel_loop3A_268 = arith.constant 512 : i32
    %parallel_loop3A_269 = arith.constant 1024 : i32
    %parallel_loop3A_270 = arith.constant 16 : i32
    scf.for %parallel_loop3A_291 = %parallel_loop3A_268 to %parallel_loop3A_269 step %parallel_loop3A_270  : i32 {
      %parallel_loop3A_292 = arith.index_cast %parallel_loop3A_291 : i32 to index
      %parallel_loop3A_293 = tpu.vector_load %arg6[%parallel_loop3A_292] {strides = array<i32>} : memref<1024xi32, #tpu.memory_space<vmem>>, vector<16xi32>,
      %parallel_loop3A_294 = tpu.vector_load_idx %arg5[%parallel_loop3A_293] : memref<64xf32, #tpu.memory_space<vmem>>[vector<16xi32>], vector<16xf32>,
      %parallel_loop3A_295 = arith.index_cast %parallel_loop3A_291 : i32 to index
      %parallel_loop3A_296 = tpu.vector_load %arg7[%parallel_loop3A_295] {strides = array<i32>} : memref<1024xf32, #tpu.memory_space<vmem>>, vector<16xf32>,
      tpu.vector_store %arg7[%parallel_loop3A_295], %parallel_loop3A_294 {strides = array<i32>} : memref<1024xf32, #tpu.memory_space<vmem>>, vector<16xf32>,
    } {sc.loop_unroll_factor = 8 : i64, sc.parallel_access}
    %add3A_271 = arith.constant 512 : i32
    %add3A_272 = arith.addi %mul3A_2, %add3A_271 : i32
    %dma_start3A_273 = arith.constant 512 : i32
    %dma_start3A_274 = tpu.memref_slice %arg7[%dma_start3A_273] : memref<1024xf32, #tpu.memory_space<vmem>> -> memref<512xf32, #tpu.memory_space<vmem>>
    %dma_start3A_275 = tpu.memref_slice %arg4[%add3A_272] : memref<16384xf32, #tpu.memory_space<hbm>> -> memref<512xf32, #tpu.memory_space<hbm>>
    %dma_start3A_276 = tpu.memref_slice %arg4[%add3A_272] : memref<16384xf32, #tpu.memory_space<hbm>> -> memref<512xf32, #tpu.memory_space<hbm>>
    %dma_start3A_277 = arith.constant 512 : i32
    %dma_start3A_278 = tpu.memref_slice %arg7[%dma_start3A_277] : memref<1024xf32, #tpu.memory_space<vmem>> -> memref<512xf32, #tpu.memory_space<vmem>>
    tpu.enqueue_dma source(%dma_start3A_278 : memref<512xf32, #tpu.memory_space<vmem>>) target(%dma_start3A_276 : memref<512xf32, #tpu.memory_space<hbm>>) target_semaphore(%arg8 : memref<!tpu.dma_semaphore, #tpu.memory_space<semaphore_mem>>)
    %dma_wait3A_279 = arith.constant 0 : i32
    %dma_wait3A_280 = tpu.memref_slice %arg7[%dma_wait3A_279] : memref<1024xf32, #tpu.memory_space<vmem>> -> memref<512xf32, #tpu.memory_space<vmem>>
    %dma_wait3A_281 = tpu.memref_slice %arg4[%add3A_255] : memref<16384xf32, #tpu.memory_space<hbm>> -> memref<512xf32, #tpu.memory_space<hbm>>
    %dma_wait3A_282 = tpu.memref_slice %arg4[%add3A_255] : memref<16384xf32, #tpu.memory_space<hbm>> -> memref<512xf32, #tpu.memory_space<hbm>>
    %dma_wait3A_283 = arith.constant 0 : i32
    %dma_wait3A_284 = tpu.memref_slice %arg7[%dma_wait3A_283] : memref<1024xf32, #tpu.memory_space<vmem>> -> memref<512xf32, #tpu.memory_space<vmem>>
    tpu.wait_dma2 semaphore(%arg8 : memref<!tpu.dma_semaphore, #tpu.memory_space<semaphore_mem>>) src(%dma_wait3A_284 : memref<512xf32, #tpu.memory_space<vmem>>) dst(%dma_wait3A_282 : memref<512xf32, #tpu.memory_space<hbm>>)
    %dma_wait3A_285 = arith.constant 512 : i32
    %dma_wait3A_286 = tpu.memref_slice %arg7[%dma_wait3A_285] : memref<1024xf32, #tpu.memory_space<vmem>> -> memref<512xf32, #tpu.memory_space<vmem>>
    %dma_wait3A_287 = tpu.memref_slice %arg4[%add3A_272] : memref<16384xf32, #tpu.memory_space<hbm>> -> memref<512xf32, #tpu.memory_space<hbm>>
    %dma_wait3A_288 = tpu.memref_slice %arg4[%add3A_272] : memref<16384xf32, #tpu.memory_space<hbm>> -> memref<512xf32, #tpu.memory_space<hbm>>
    %dma_wait3A_289 = arith.constant 512 : i32
    %dma_wait3A_290 = tpu.memref_slice %arg7[%dma_wait3A_289] : memref<1024xf32, #tpu.memory_space<vmem>> -> memref<512xf32, #tpu.memory_space<vmem>>
    tpu.wait_dma2 semaphore(%arg8 : memref<!tpu.dma_semaphore, #tpu.memory_space<semaphore_mem>>) src(%dma_wait3A_290 : memref<512xf32, #tpu.memory_space<vmem>>) dst(%dma_wait3A_288 : memref<512xf32, #tpu.memory_space<hbm>>)
    return
  }
}

</mosaic_0001>

<sc_bundles>
// kernel: kernel.3.cloned.1.call-start
scs
__scs_entry_jumppad:
0x0: {  	(pc) =	sbr.rel $0x88, $3  }
0x1: {  	(tag) =	ssettag $0x0;
	lr =	simm.s32 $0x1  }
0x2: {  	[smem:$0x3F9F] =	sst lr;
	_ =	strace $0xD0000000  }
0x3: {  	_ = 	snop  }
0x4: {  	_ = 	snop  }
0x5: {  	_ = 	snop  }
0x6: {  	_ = 	snop  }
0x7: {  	_ = 	snop  }
__scs_overlays_trampoline_lowered:
0x8: {  	[smem:$0x3FAE] =	sst s0  }
0x9: {  	[smem:$0x3FAF] =	sst s1  }
0xa: {  	[smem:$0x3FB0] =	sst s2  }
0xb: {  	[smem:$0x3FB1] =	sst s3  }
0xc: {  	[smem:$0x3FB2] =	sst s4  }
0xd: {  	[smem:$0x3FB3] =	sst s5  }
0xe: {  	[smem:$0x3FB4] =	sst s6  }
0xf: {  	[smem:$0x3FB5] =	sst s7  }
0x10: {  	[smem:$0x3FB6] =	sst s8  }
0x11: {  	[smem:$0x3FB7] =	sst s9;
	s0 =	simm.s32 @!p0 $0x0  }
0x12: {  	s1 =	sld [smem:$0x3F9D];
	s0 =	simm.s32 @p0 $0x1  }
0x13: {  	[smem:$0x3FB8] =	sst s0;
	s0 =	simm.s32 @!p1 $0x0  }
0x14: {  	s2 =	sld [smem:$0x3F9C];
	s0 =	simm.s32 @p1 $0x1  }
0x15: {  	[smem:$0x3FB9] =	sst s0;
	s0 =	simm.s32 @!p2 $0x0  }
0x16: {  	s3 =	sld [smem:$0x3FDB];
	s0 =	simm.s32 @p2 $0x1  }
0x17: {  	s4 =	simm.s32 $0x1BF5;
	[smem:$0x3FBB] =	sst s0  }
0x18: {  	s0 =	sld [smem:$0x3F9E];
	_ =	swait.ge [sflag:s4], $0x0  }
0x19: {  	s7 =	sld [smem:$0x3F9F]  }
0x1a: {  	s8 =	sadd.s32 $0xFFFFE003, lr  }
0x1b: {  	s9 =	sadd.s32 $0xFFFFFEF7, lr;
	s5 =	simm.s32 $0xFFFFFFFF;
	p2 =	slt.u32 s8, $0xFFFFF086  }
0x1c: {  	p1 =	slt.u32 s9, $0xF7A;
	s5 =	simm.s32 @!p2 $0x0  }
0x1d: {  	s5 =	simm.s32 @p1 $0x1;
	p0 =	seq.s32 s7, s2  }
0x1e: {  	s7 =	smul.u32 @!p0 $0xF7A, s2;
	p2 =	seq.s32 @!p0 s5, $0x0  }
0x1f: {  	s9 =	smul.u32 $0xF7A, s1;
	s8 =	simm.s32 @!p0 $0x1BF5;
	p2 =	por !p2, p0  }
0x20: {  	[sflag:s8] =	ssyncset.s32 @!p0 $0xFFFFF086;
	s6 =	sadd.s32 @!p0 s3, s7;
	s7 =	simm.s32 @!p0 $0x108  }
0x21: {  	s3 =	sadd.s32 s3, s9;
	s6 =	sadd.s32 @!p0 $0x88, s6;
	s7 =	simm.s32 @p2 $0x1082  }
0x22: {  	[simem:s7], [sflag:s8] =	dma.local @!p0 [hbm:s6], $0xF7A  }
0x23: {  	s9 =	sor.u32 $0xD0000000, s2;
	s6 =	simm.s32 $0x108;
	_ =	swait.ge @!p0 [sflag:s8], $0x0  }
0x24: {  	s3 =	sadd.s32 $0x88, s3;
	s6 =	simm.s32 @!p1 $0x1082;
	[sflag:s4] =	ssyncset.s32 $0xFFFFF086  }
0x25: {  	[simem:s6], [sflag:s4] =	dma.local [hbm:s3], $0xF7A  }
0x26: {  	[smem:$0x3F9F] =	sst s1;
	(tag) =	ssettag s2;
	_ =	strace s9  }
0x27: {  	s1 =	sld [smem:$0x3FAF]  }
0x28: {  	s2 =	sld [smem:$0x3FB0]  }
0x29: {  	s4 =	sld [smem:$0x3FB2]  }
0x2a: {  	p0 =	seq.s32 s5, $0x0;
	s5 =	sld [smem:$0x3FB3]  }
0x2b: {  	s6 =	sld [smem:$0x3FB4]  }
0x2c: {  	s7 =	sld [smem:$0x3FB5]  }
0x2d: {  	s3 =	simm.s32 $0x108;
	s8 =	sld [smem:$0x3FB6]  }
0x2e: {  	s3 =	simm.s32 @!p0 $0x1082;
	s9 =	sld [smem:$0x3FB7]  }
0x2f: {  	lr =	sadd.s32 s0, s3;
	s0 =	sld [smem:$0x3FAE]  }
0x30: {  	s3 =	sld [smem:$0x3FB1]  }
0x31: {  	[smem:$0x3FBA] =	sst s10  }
0x32: {  	s10 =	sld [smem:$0x3FB8];
	_ =	sdelay $0x3  }
0x33: {  	p0 =	seq.s32 s10, $0x1;
	s10 =	sld [smem:$0x3FBA];
	_ =	sdelay $0x3  }
0x34: {  	[smem:$0x3FBA] =	sst s10  }
0x35: {  	s10 =	sld [smem:$0x3FB9];
	_ =	sdelay $0x3  }
0x36: {  	p1 =	seq.s32 s10, $0x1;
	s10 =	sld [smem:$0x3FBA];
	_ =	sdelay $0x3  }
0x37: {  	[smem:$0x3FBA] =	sst s10  }
0x38: {  	s10 =	sld [smem:$0x3FBB]  }
0x39: {  	_ = 	snop;
	(pc) =	sbr.ind lr, $3  }
0x3a: {  	_ = 	snop  }
0x3b: {  	_ = 	snop  }
0x3c: {  	p2 =	seq.s32 s10, $0x1;
	s10 =	sld [smem:$0x3FBA]  }
0x3d: {  	_ =	shalt  }
0x3e: {  	_ =	shalt  }
0x3f: {  	_ =	shalt  }
0x40: {  	_ =	shalt  }
0x41: {  	_ =	shalt  }
0x42: {  	_ =	shalt  }
0x43: {  	_ =	shalt  }
0x44: {  	_ =	shalt  }
0x45: {  	_ =	shalt  }
0x46: {  	_ =	shalt  }
0x47: {  	_ =	shalt  }
0x48: {  	_ =	shalt  }
0x49: {  	_ =	shalt  }
0x4a: {  	_ =	shalt  }
0x4b: {  	_ =	shalt  }
0x4c: {  	_ =	shalt  }
0x4d: {  	_ =	shalt  }
0x4e: {  	_ =	shalt  }
0x4f: {  	_ =	shalt  }
0x50: {  	_ =	shalt  }
0x51: {  	_ =	shalt  }
0x52: {  	_ =	shalt  }
0x53: {  	_ =	shalt  }
0x54: {  	_ =	shalt  }
0x55: {  	_ =	shalt  }
0x56: {  	_ =	shalt  }
0x57: {  	_ =	shalt  }
0x58: {  	_ =	shalt  }
0x59: {  	_ =	shalt  }
0x5a: {  	_ =	shalt  }
0x5b: {  	_ =	shalt  }
0x5c: {  	_ =	shalt  }
0x5d: {  	_ =	shalt  }
0x5e: {  	_ =	shalt  }
0x5f: {  	_ =	shalt  }
0x60: {  	_ =	shalt  }
0x61: {  	_ =	shalt  }
0x62: {  	_ =	shalt  }
0x63: {  	_ =	shalt  }
0x64: {  	_ =	shalt  }
0x65: {  	_ =	shalt  }
0x66: {  	_ =	shalt  }
0x67: {  	_ =	shalt  }
0x68: {  	_ =	shalt  }
0x69: {  	_ =	shalt  }
0x6a: {  	_ =	shalt  }
0x6b: {  	_ =	shalt  }
0x6c: {  	_ =	shalt  }
0x6d: {  	_ =	shalt  }
0x6e: {  	_ =	shalt  }
0x6f: {  	_ =	shalt  }
0x70: {  	_ =	shalt  }
0x71: {  	_ =	shalt  }
0x72: {  	_ =	shalt  }
0x73: {  	_ =	shalt  }
0x74: {  	_ =	shalt  }
0x75: {  	_ =	shalt  }
0x76: {  	_ =	shalt  }
0x77: {  	_ =	shalt  }
0x78: {  	_ =	shalt  }
0x79: {  	_ =	shalt  }
0x7a: {  	_ =	shalt  }
0x7b: {  	_ =	shalt  }
0x7c: {  	_ =	shalt  }
0x7d: {  	_ =	shalt  }
0x7e: {  	_ =	shalt  }
0x7f: {  	_ =	shalt  }
0x80: {  	_ =	shalt  }
0x81: {  	_ =	shalt  }
0x82: {  	_ =	shalt  }
0x83: {  	_ =	shalt  }
0x84: {  	_ =	shalt  }
0x85: {  	_ =	shalt  }
0x86: {  	_ =	shalt  }
0x87: {  	_ =	shalt  }
.Lfunc_end0:
.L_simem_size_0:
called_computation_lowered:
.L_overlay_start_0:
0x88: {  	s0 =	sld [smem:$0x3FD9]  }
0x89: {  	s1 =	sld [smem:$0x3FFE];
	_ =	sdelay $0x3  }
0x8a: {  	s0 =	sadd.s32 s1, s0  }
0x8b: {  	[smem:$0x3FC6] =	sst s0  }
0x8c: {  	_ = 	snop  }
0x8d: {  	s0 =	sld [smem:$0x3FC9]  }
0x8e: {  	s17 =	sld [smem:$0x3FC8]  }
0x8f: {  	s2 =	sld [smem:$0x3FD0];
	(tm) =	ssettm $0x1  }
0x90: {  	s3 =	sld [smem:$0x3FFB];
	_ =	sdelay $0x3  }
0x91: {  	_ =	strace s3  }
0x92: {  	s3 =	sld [smem:$0x3FFC];
	_ =	sdelay $0x3  }
0x93: {  	_ =	strace s3  }
0x94: {  	s3 =	sld [smem:$0x3FFD];
	_ =	sdelay $0x3  }
0x95: {  	_ =	strace s3  }
0x96: {  	_ =	strace $0x8FFFFFFF  }
0x97: {  	s18 =	sld [smem:$0x3FDB];
	_ =	sdelay $0x1  }
0x98: {  	s4 =	simm.s32 $_scs_section_size  }
0x99: {  	s5 =	simm.s32 $_size__tile_overlayer_lowered;
	s6 =	simm.s32 $_tile_overlayer_lowered  }
0x9a: {  	s21 =	simm.s32 $0x1BFF;
	s20 =	sshll.u32 s6, $0x1;
	s3 =	sadd.s32 s4, s18  }
0x9b: {  	s7 =	simm.s32 $0x0;
	s19 =	sshll.u32 s5, $0x1;
	s5 =	sadd.s32 s20, s3  }
0x9c: {  	[timem:s7], [sflag:s21] =	dma.local [hbm:s5], s19  }
0x9d: {  	_ =	swait.ge [sflag:s21], s19  }
0x9e: {  	s4 =	ssub.s32 $0x0, s19;
	[sflag:s21] =	ssyncset.done $0x0  }
0x9f: {  	[sflag:s21] =	ssyncadd.s32 s4;
	_ =	sdelay $0x1  }
0xa0: {  	s22 =	simm.s32 $0x1B8B  }
0xa1: {  	_ =	swait.ge [sflag:s22], $0x1  }
0xa2: {  	[sflag:s22] =	ssyncset.done $0x0  }
0xa3: {  	s23 =	simm.s32 $0x1B8E;
	[sflag:s22] =	ssyncadd.s32 $0xFFFFFFFF  }
0xa4: {  	s24 =	simm.s32 $execute0_lowered;
	[smem:$0x3FD2] =	sst s23  }
0xa5: {  	s4 =	sshll.u32 s24, $0x1;
	_ =	strace $0x80000046;
	[dreg:$0x1] =	wrdreg $0xFFFFFFFF  }
0xa6: {  	s25 =	simm.s32 $_size_execute0_lowered;
	s3 =	sadd.s32 s3, s4;
	[dreg:$0x0] =	wrdreg $0x0  }
0xa7: {  	s4 =	sshll.u32 s25, $0x1;
	[dreg:$0x2] =	wrdreg s3  }
0xa8: {  	[dreg:$0x3] =	wrdreg s4  }
0xa9: {  	[dreg:$0x4] =	wrdreg $0xC0  }
0xaa: {  	_ =	task [dreg:s7], $0x5FFFF  }
0xab: {  	[dreg:$0x1] =	wrdreg $0xFFFFFFFF  }
0xac: {  	[dreg:$0x0] =	wrdreg $0x60  }
0xad: {  	[dreg:$0x2] =	wrdreg s0  }
0xae: {  	[dreg:$0x3] =	wrdreg s17  }
0xaf: {  	[dreg:$0x4] =	wrdreg s2  }
0xb0: {  	[dreg:$0x5] =	wrdreg $0x9  }
0xb1: {  	_ =	task.clear_ibuf [dreg:s7], $0x6FFFF;
	_ =	strace $0x90000046  }
0xb2: {  	s26 =	simm.s32 $0x9;
	_ =	strace $0x80000048  }
0xb3: {  	_ =	swait.ge [sflag:s26], $0x1  }
0xb4: {  	[sflag:s26] =	ssyncadd.s32 $0xFFFFFFFF  }
0xb5: {  	_ =	strace $0x90000048  }
0xb6: {  	_ =	sfence  }
0xb7: {  	s28 =	sld [smem:$0x0];
	_ =	sdelay $0x1  }
0xb8: {  	s29 =	srdreg.scid  }
0xb9: {  	s30 =	sshll.u32 s29, $0xD;
	s31 =	sshrl.u32 s29, $0x2  }
0xba: {  	s1 =	sand.u32 $0x1, s29;
	s2 =	sand.u32 $0x4000, s30;
	s0 =	sadd.s32 s31, s28  }
0xbb: {  	s1 =	sor.u32 s2, s1;
	s0 =	sshll.u32 s0, $0x11  }
0xbc: {  	s0 =	sor.u32 s0, s1  }
0xbd: {  	s0 =	sadd.s32 $0x8F2B, s0  }
0xbe: {  	[sflag:s0] =	ssyncadd.remote.s32 $0x1  }
0xbf: {  	_ =	sfence.sel $0xFFFF  }
0xc0: {  	[dreg:$0x0] =	wrdreg $0xFFFFFFFF;
	(pc) =	sbr.abs _section_cstart, $3  }
0xc1: {  	[dreg:$0x1] =	wrdreg $0xFFFFFFFF  }
0xc2: {  	_ =	task.clear_ibuf [dreg:s7], $0x2FFFF;
	_ =	strace $0x9FFFFFFF  }
0xc3: {  	(tm) =	ssettm $0x7FFFFFFF  }
tec
execute0_lowered:
.L_overlay_start_1:
0x0: {  	(tag) =	ssettag $0x1  }
0x1: {  	s6 =	rddreg [dreg:$0x0]  }
0x2: {  	s3 =	rddreg [dreg:$0x1]  }
0x3: {  	s2 =	rddreg [dreg:$0x2];
	s5 =	simm.s32 $0x0  }
0x4: {  	s1 =	stileid.u32;
	[smem:$0x7FF] =	sst s5  }
0x5: {  	s0 =	rddreg [dreg:$0x3];
	s4 =	sshll.u32 s1, $0x7;
	_ =	strace $0x80000047  }
0x6: {  	[tilespmem:s5], [sflag:$0x1] =	stream.linear.gather [hbm4b:s3+s5], $0x80, $0x38;
	[tilespmem:$0x880] =	vst v63  }
0x7: {  	s8 =	simm.s32 $0x80;
	s7 =	sadd.s32 s6, s4;
	s3 =	sor.u32 $0x40, s4  }
0x8: {  	[tilespmem:s8], [sflag:$0x2] =	stream.linear.gather [hbm4b:s7+s5], $0x200, $0x38;
	[tilespmem:$0x880] =	vst v63  }
0x9: {  	s28 =	simm.s32 $0x280;
	s29 =	simm.s32 $0x1;
	s6 =	sadd.s32 s6, s3  }
0xa: {  	[tilespmem:s28], [sflag:$0x3] =	stream.linear.gather [hbm4b:s6+s5], $0x200, $0x38;
	[tilespmem:$0x880] =	vst v63  }
0xb: {  	_ =	swait.ge [sflag:s29], $0x80  }
0xc: {  	[sflag:s29] =	ssyncset.done $0x0  }
0xd: {  	[sflag:s29] =	ssyncadd.s32 $0xFFFFFF80  }
0xe: {  	v0 =	vld [tilespmem:$0x0];
	_ =	sdelay $0x4  }
0xf: {  	v1 =	vld [tilespmem:$0x10];
	v0 =	vadd.f32 $1.000000000e-30, v0;
	_ =	sdelay $0x1  }
0x10: {  	v2 =	vand.u32 $0x7FFFFF, v0  }
0x11: {  	v3 =	vld [tilespmem:$0x20];
	v2 =	vor.u32 $0x3F800000, v2  }
0x12: {  	v5 =	vld [tilespmem:$0x30];
	v4 =	vmul.f32 $5.000000000e-01, v2  }
0x13: {  	v1 =	vadd.f32 $1.000000000e-30, v1;
	vm2 =	vgt.f32 v2, $1.414213540e+00  }
0x14: {  	v2 =	vsel vm2, v4, v2  }
0x15: {  	v6 =	vand.u32 $0x7FFFFF, v1;
	v4 =	vadd.f32 $1.000000000e+00, v2  }
0x16: {  	v3 =	vadd.f32 $1.000000000e-30, v3;
	v6 =	vor.u32 $0x3F800000, v6  }
0x17: {  	v5 =	vadd.f32 $1.000000000e-30, v5;
	(erf) = vrcp.f32 v4;
	v4 =	vmul.f32 $5.000000000e-01, v6  }
0x18: {  	v7 =	vand.u32 $0x7FFFFF, v3;
	vm3 =	vgt.f32 v6, $1.414213540e+00  }
0x19: {  	v4 =	vsel vm3, v4, v6;
	v6 =	vor.u32 $0x3F800000, v7;
	v7 =	vand.u32 $0x7FFFFF, v5  }
0x1a: {  	v9 =	vmul.f32 $5.000000000e-01, v6;
	v7 =	vor.u32 $0x3F800000, v7  }
0x1b: {  	vm1 =	vgt.f32 v6, $1.414213540e+00;
	v10 =	vmul.f32 $5.000000000e-01, v7  }
0x1c: {  	v8 =	vadd.f32 $1.000000000e+00, v4;
	vm0 =	vgt.f32 v7, $1.414213540e+00;
	v6 =	vsel vm1, v9, v6  }
0x1d: {  	v45 =	vadd.f32 $1.000000000e+00, v6;
	v7 =	vsel vm0, v10, v7  }
0x1e: {  	(erf) = vrcp.f32 v8;
	v46 =	vadd.f32 $1.000000000e+00, v7  }
0x1f: {  	(erf) = vrcp.f32 v45  }
0x20: {  	v47 =	vpop (erf);
	(erf) = vrcp.f32 v46  }
0x21: {  	v2 =	vadd.f32 $-1.000000000e+00, v2;
	_ =	sdelay $0x1  }
0x22: {  	v2 =	vmul.f32 v47, v2;
	_ =	sdelay $0x1  }
0x23: {  	v0 =	vshrl.u32 v0, $0x17;
	v8 =	vmul.f32 v2, v2  }
0x24: {  	v1 =	vshrl.u32 v1, $0x17;
	v0 =	vadd.s32 $0xFFFFFF81, v0;
	v4 =	vadd.f32 $-1.000000000e+00, v4  }
0x25: {  	v1 =	vadd.s32 $0xFFFFFF81, v1;
	v6 =	vadd.f32 $-1.000000000e+00, v6;
	v48 =	vpop (erf);
	v49 =	vmul.f32 $2.857142980e-01, v8  }
0x26: {  	v0 =	vcvt.s32.f32 v0;
	v7 =	vadd.f32 $-1.000000000e+00, v7;
	v4 =	vmul.f32 v48, v4;
	v51 =	vpop (erf)  }
0x27: {  	v1 =	vcvt.s32.f32 v1;
	v50 =	vadd.f32 $4.000000060e-01, v49;
	v6 =	vmul.f32 v51, v6;
	v52 =	vpop (erf)  }
0x28: {  	v11 =	vmul.f32 v4, v4;
	v7 =	vmul.f32 v52, v7  }
0x29: {  	v3 =	vshrl.u32 v3, $0x17;
	v9 =	vmul.f32 v50, v8;
	v53 =	vmul.f32 v6, v6  }
0x2a: {  	v3 =	vadd.s32 $0xFFFFFF81, v3;
	v12 =	vmul.f32 $2.857142980e-01, v11;
	v13 =	vmul.f32 v7, v7  }
0x2b: {  	v3 =	vcvt.s32.f32 v3;
	v9 =	vadd.f32 $6.666666860e-01, v9;
	v54 =	vmul.f32 $2.857142980e-01, v53  }
0x2c: {  	v14 =	vadd.f32 $1.000000000e+00, v0;
	v12 =	vadd.f32 $4.000000060e-01, v12;
	v16 =	vmul.f32 $2.857142980e-01, v13  }
0x2d: {  	v15 =	vadd.f32 $1.000000000e+00, v1;
	v8 =	vmul.f32 v9, v8;
	v9 =	vadd.f32 $4.000000060e-01, v54  }
0x2e: {  	v59 =	vadd.f32 $1.000000000e+00, v3;
	v12 =	vmul.f32 v12, v11;
	v55 =	vadd.f32 $4.000000060e-01, v16  }
0x2f: {  	v0 =	vsel vm2, v14, v0;
	v8 =	vadd.f32 $2.000000000e+00, v8;
	v56 =	vmul.f32 v9, v53  }
0x30: {  	v0 =	vmul.f32 $6.931471820e-01, v0;
	v12 =	vadd.f32 $6.666666860e-01, v12;
	v58 =	vmul.f32 v55, v13  }
0x31: {  	v5 =	vshrl.u32 v5, $0x17;
	v2 =	vmul.f32 v8, v2;
	v8 =	vadd.f32 $6.666666860e-01, v56  }
0x32: {  	v5 =	vadd.s32 $0xFFFFFF81, v5;
	v57 =	vmul.f32 v12, v11;
	v11 =	vadd.f32 $6.666666860e-01, v58  }
0x33: {  	v1 =	vsel vm3, v15, v1;
	v5 =	vcvt.s32.f32 v5;
	v8 =	vmul.f32 v8, v53  }
0x34: {  	v0 =	vadd.f32 v2, v0;
	v9 =	vadd.f32 $2.000000000e+00, v57;
	v2 =	vmul.f32 v11, v13  }
0x35: {  	v1 =	vmul.f32 $6.931471820e-01, v1;
	v60 =	vadd.f32 $1.000000000e+00, v5;
	v8 =	vadd.f32 $2.000000000e+00, v8  }
0x36: {  	v3 =	vsel vm1, v59, v3;
	v4 =	vmul.f32 v9, v4;
	v2 =	vadd.f32 $2.000000000e+00, v2  }
0x37: {  	v3 =	vmul.f32 $6.931471820e-01, v3;
	v5 =	vsel vm0, v60, v5;
	v6 =	vmul.f32 v8, v6  }
0x38: {  	v1 =	vadd.f32 v4, v1;
	v4 =	vmul.f32 $6.931471820e-01, v5;
	v2 =	vmul.f32 v2, v7  }
0x39: {  	[tilespmem:$0x0] =	vst v0;
	v0 =	vadd.f32 v6, v3  }
0x3a: {  	[tilespmem:$0x10] =	vst v1;
	v1 =	vadd.f32 v2, v4  }
0x3b: {  	[tilespmem:$0x20] =	vst v0  }
0x3c: {  	s30 =	simm.s32 $0x2;
	[tilespmem:$0x30] =	vst v1  }
0x3d: {  	_ =	swait.ge [sflag:s30], $0x200  }
0x3e: {  	[sflag:s30] =	ssyncset.done $0x0  }
0x3f: {  	s31 =	simm.s32 $0xC0;
	[sflag:s30] =	ssyncadd.s32 $0xFFFFFE00  }
0x40: {  	v0 =	vld [tilespmem:s31+$0x30]  }
0x41: {  	v1 =	vld [tilespmem:s31+$0xFFFFFFD0]  }
0x42: {  	v2 =	vld [tilespmem:s31+$0xFFFFFFE0]  }
0x43: {  	v3 =	vld [tilespmem:s31+$0xFFFFFFF0]  }
0x44: {  	v4 =	vld [tilespmem:s31+$0x0]  }
0x45: {  	v6 =	vld [tilespmem:s31+$0x10]  }
0x46: {  	v7 =	vld [tilespmem:s31+$0x20]  }
0x47: {  	v61 =	vld [tilespmem:s31+$0xFFFFFFC0]  }
0x48: {  	v62 =	vld.idx.msk [tilespmem:v0+s5+$0x0], $0xffff  }
0x49: {  	v63 =	vld.idx.msk [tilespmem:v1+s5+$0x0], $0xffff  }
0x4a: {  	v5 =	vld.idx.msk [tilespmem:v2+s5+$0x0], $0xffff  }
0x4b: {  	v3 =	vld.idx.msk [tilespmem:v3+s5+$0x0], $0xffff  }
0x4c: {  	v0 =	vld.idx.msk [tilespmem:v4+s5+$0x0], $0xffff  }
0x4d: {  	s6 =	simm.s32 $0x4C0;
	v1 =	vld.idx.msk [tilespmem:v6+s5+$0x0], $0xffff  }
0x4e: {  	v2 =	vld.idx.msk [tilespmem:v7+s5+$0x0], $0xffff;
	[tilespmem:s6+$0x30] =	vst v62  }
0x4f: {  	s7 =	simm.s32 $0x0;
	s8 =	simm.s32 $0x140;
	v4 =	vld.idx.msk [tilespmem:v61+s5+$0x0], $0xffff;
	[tilespmem:s6+$0xFFFFFFD0] =	vst v63  }
.LBB2_1:
0x50: {  	v6 =	vld [tilespmem:s8+$0x30];
	s7 =	sadd.s32 $0x80, s7;
	[tilespmem:s6+$0xFFFFFFE0] =	vst v5  }
0x51: {  	v5 =	vld [tilespmem:s8+$0xFFFFFFD0];
	p0 =	slt.u32 s7, $0x180;
	[tilespmem:s6+$0xFFFFFFF0] =	vst v3  }
0x52: {  	v3 =	vld [tilespmem:s8+$0xFFFFFFE0];
	[tilespmem:s6+$0x0] =	vst v0  }
0x53: {  	v0 =	vld [tilespmem:s8+$0xFFFFFFF0];
	[tilespmem:s6+$0x10] =	vst v1  }
0x54: {  	v1 =	vld [tilespmem:s8+$0x0];
	[tilespmem:s6+$0x20] =	vst v2  }
0x55: {  	v2 =	vld [tilespmem:s8+$0x10];
	[tilespmem:s6+$0xFFFFFFC0] =	vst v4  }
0x56: {  	v4 =	vld [tilespmem:s8+$0x20]  }
0x57: {  	v7 =	vld [tilespmem:s8+$0xFFFFFFC0]  }
0x58: {  	v6 =	vld.idx.msk [tilespmem:v6+s5+$0x0], $0xffff  }
0x59: {  	v8 =	vld.idx.msk [tilespmem:v5+s5+$0x0], $0xffff  }
0x5a: {  	v5 =	vld.idx.msk [tilespmem:v3+s5+$0x0], $0xffff  }
.Ltmp0:
0x5b: {  	v3 =	vld.idx.msk [tilespmem:v0+s5+$0x0], $0xffff;
	(pc) =	sbr.rel @p0 .LBB2_1-.Ltmp0, $4  }
0x5c: {  	v0 =	vld.idx.msk [tilespmem:v1+s5+$0x0], $0xffff  }
0x5d: {  	s6 =	sadd.s32 $0x80, s6;
	v1 =	vld.idx.msk [tilespmem:v2+s5+$0x0], $0xffff  }
0x5e: {  	v2 =	vld.idx.msk [tilespmem:v4+s5+$0x0], $0xffff;
	[tilespmem:s6+$0x30] =	vst v6  }
0x5f: {  	s8 =	sadd.s32 $0x80, s8;
	v4 =	vld.idx.msk [tilespmem:v7+s5+$0x0], $0xffff;
	[tilespmem:s6+$0xFFFFFFD0] =	vst v8  }
0x60: {  	[tilespmem:s6+$0xFFFFFFE0] =	vst v5  }
0x61: {  	[tilespmem:s6+$0xFFFFFFF0] =	vst v3  }
0x62: {  	[tilespmem:s6+$0x0] =	vst v0  }
0x63: {  	[tilespmem:s6+$0x10] =	vst v1  }
0x64: {  	s5 =	sadd.s32 s2, s4;
	[tilespmem:s6+$0x20] =	vst v2  }
0x65: {  	s4 =	simm.s32 $0x0;
	s29 =	simm.s32 $0x480;
	s30 =	simm.s32 $0x3;
	[tilespmem:s6+$0xFFFFFFC0] =	vst v4  }
0x66: {  	[hbm4b:s5+s4] =	stream.linear.scatter [tilespmem:s29], [sflag:$0x1], $0x200, $0x38;
	[tilespmem:$0x880] =	vst v63  }
0x67: {  	_ =	swait.ge [sflag:s30], $0x200  }
0x68: {  	[sflag:s30] =	ssyncset.done $0x0  }
0x69: {  	s31 =	simm.s32 $0x2F0;
	[sflag:s30] =	ssyncadd.s32 $0xFFFFFE00  }
0x6a: {  	v0 =	vld [tilespmem:s31+$0x0]  }
0x6b: {  	v1 =	vld [tilespmem:s31+$0xFFFFFFA0]  }
0x6c: {  	v2 =	vld [tilespmem:s31+$0xFFFFFFB0]  }
0x6d: {  	v3 =	vld [tilespmem:s31+$0xFFFFFFC0]  }
0x6e: {  	v4 =	vld [tilespmem:s31+$0xFFFFFFD0]  }
0x6f: {  	v6 =	vld [tilespmem:s31+$0xFFFFFFE0]  }
0x70: {  	v7 =	vld [tilespmem:s31+$0xFFFFFFF0]  }
0x71: {  	v8 =	vld [tilespmem:s31+$0xFFFFFF90]  }
0x72: {  	v9 =	vld.idx.msk [tilespmem:v0+s4+$0x0], $0xffff  }
0x73: {  	v10 =	vld.idx.msk [tilespmem:v1+s4+$0x0], $0xffff  }
0x74: {  	v5 =	vld.idx.msk [tilespmem:v2+s4+$0x0], $0xffff  }
0x75: {  	v3 =	vld.idx.msk [tilespmem:v3+s4+$0x0], $0xffff  }
0x76: {  	v0 =	vld.idx.msk [tilespmem:v4+s4+$0x0], $0xffff  }
0x77: {  	s5 =	simm.s32 $0x6F0;
	v1 =	vld.idx.msk [tilespmem:v6+s4+$0x0], $0xffff  }
0x78: {  	v2 =	vld.idx.msk [tilespmem:v7+s4+$0x0], $0xffff;
	[tilespmem:s5+$0x0] =	vst v9  }
0x79: {  	s7 =	simm.s32 $0x370;
	s6 =	simm.s32 $0x200;
	v4 =	vld.idx.msk [tilespmem:v8+s4+$0x0], $0xffff;
	[tilespmem:s5+$0xFFFFFFA0] =	vst v10  }
.LBB2_3:
0x7a: {  	v6 =	vld [tilespmem:s7+$0x0];
	s6 =	sadd.s32 $0x80, s6;
	[tilespmem:s5+$0xFFFFFFB0] =	vst v5  }
0x7b: {  	v5 =	vld [tilespmem:s7+$0xFFFFFFA0];
	p0 =	slt.u32 s6, $0x380;
	[tilespmem:s5+$0xFFFFFFC0] =	vst v3  }
0x7c: {  	v3 =	vld [tilespmem:s7+$0xFFFFFFB0];
	[tilespmem:s5+$0xFFFFFFD0] =	vst v0  }
0x7d: {  	v0 =	vld [tilespmem:s7+$0xFFFFFFC0];
	[tilespmem:s5+$0xFFFFFFE0] =	vst v1  }
0x7e: {  	v1 =	vld [tilespmem:s7+$0xFFFFFFD0];
	[tilespmem:s5+$0xFFFFFFF0] =	vst v2  }
0x7f: {  	v2 =	vld [tilespmem:s7+$0xFFFFFFE0];
	[tilespmem:s5+$0xFFFFFF90] =	vst v4  }
0x80: {  	v4 =	vld [tilespmem:s7+$0xFFFFFFF0]  }
0x81: {  	v7 =	vld [tilespmem:s7+$0xFFFFFF90]  }
0x82: {  	v6 =	vld.idx.msk [tilespmem:v6+s4+$0x0], $0xffff  }
0x83: {  	v8 =	vld.idx.msk [tilespmem:v5+s4+$0x0], $0xffff  }
0x84: {  	v5 =	vld.idx.msk [tilespmem:v3+s4+$0x0], $0xffff  }
.Ltmp1:
0x85: {  	v3 =	vld.idx.msk [tilespmem:v0+s4+$0x0], $0xffff;
	(pc) =	sbr.rel @p0 .LBB2_3-.Ltmp1, $4  }
0x86: {  	v0 =	vld.idx.msk [tilespmem:v1+s4+$0x0], $0xffff  }
0x87: {  	s5 =	sadd.s32 $0x80, s5;
	v1 =	vld.idx.msk [tilespmem:v2+s4+$0x0], $0xffff  }
0x88: {  	v2 =	vld.idx.msk [tilespmem:v4+s4+$0x0], $0xffff;
	[tilespmem:s5+$0x0] =	vst v6  }
0x89: {  	s7 =	sadd.s32 $0x80, s7;
	v4 =	vld.idx.msk [tilespmem:v7+s4+$0x0], $0xffff;
	[tilespmem:s5+$0xFFFFFFA0] =	vst v8  }
0x8a: {  	[tilespmem:s5+$0xFFFFFFB0] =	vst v5  }
0x8b: {  	[tilespmem:s5+$0xFFFFFFC0] =	vst v3  }
0x8c: {  	[tilespmem:s5+$0xFFFFFFD0] =	vst v0  }
0x8d: {  	[tilespmem:s5+$0xFFFFFFE0] =	vst v1  }
0x8e: {  	s2 =	sadd.s32 s2, s3;
	[tilespmem:s5+$0xFFFFFFF0] =	vst v2  }
0x8f: {  	s30 =	simm.s32 $0x0;
	s4 =	simm.s32 $0x680;
	s31 =	simm.s32 $0x1;
	[tilespmem:s5+$0xFFFFFF90] =	vst v4  }
0x90: {  	[hbm4b:s2+s30] =	stream.linear.scatter [tilespmem:s4], [sflag:$0x1], $0x200, $0x38;
	[tilespmem:$0x880] =	vst v63  }
0x91: {  	_ =	swait.ge [sflag:s31], $0x200  }
0x92: {  	[sflag:s31] =	ssyncset.done $0x0  }
0x93: {  	[sflag:s31] =	ssyncadd.s32 $0xFFFFFE00  }
0x94: {  	_ =	swait.ge [sflag:s31], $0x200  }
0x95: {  	[sflag:s31] =	ssyncset.done $0x0  }
0x96: {  	[sflag:s31] =	ssyncadd.s32 $0xFFFFFE00  }
0x97: {  	_ =	sfence.sel $0x180000  }
0x98: {  	[bflag:$0x0] =	sbarrier.arrive $0xFFFF  }
0x99: {  	p0 =	sne.s32 s1, $0x0;
	_ =	strace $0x90000047  }
0x9a: {  	s0 =	sadd.s32 @!p0 $0x100000, s0;
	[bflag:$0x2] =	sbarrier.arrive $0xFFFF  }
0x9b: {  	[sflag:s0] =	ssyncadd.tile.s32 @!p0 $0x1;
	_ =	shalt  }
.Lfunc_end2:
_tile_overlayer_lowered:
.L_overlay_start_2:
0x9c: {  	(tag) =	ssettag $0x2  }
0x9d: {  	s0 =	rddreg [dreg:$0x0];
	s2 =	stileid.u32  }
0x9e: {  	s1 =	rddreg [dreg:$0x1];
	p0 =	sne.s32 s2, $0x0  }
0x9f: {  	s3 =	rddreg [dreg:$0x2];
	[bflag:$0x3] =	sbarrier.arrive $0xFFFF;
	s2 =	simm.s32 @!p0 $0x1C04  }
0xa0: {  	[timem:s3], [sflag:s2] =	dma.local @!p0 [hbm:s0], s1  }
0xa1: {  	s0 =	simm.s32 @!p0 $0x4  }
0xa2: {  	_ =	swait.ge @!p0 [sflag:s0], s1  }
0xa3: {  	s1 =	ssub.s32 @!p0 $0x0, s1;
	[sflag:s0] =	ssyncset.done @!p0 $0x0  }
0xa4: {  	[sflag:s0] =	ssyncadd.s32 @!p0 s1  }
0xa5: {  	[bflag:$0x3] =	sbarrier.arrive $0xFFFF  }
0xa6: {  	_ =	shalt  }

</sc_bundles>
